<compile_context>
chip_gen: v7x
topology: tpu7x:2x2x1
jax: 0.10.2.dev20260603
libtpu: 0.0.44.dev20260713+nightly
codegen_flags: <defaults>
</compile_context>

<pallas_src>
import dataclasses
import functools

import jax
import jax.numpy as jnp
from jax import lax
from jax.experimental import pallas as pl
from jax.experimental.pallas import tpu as pltpu
from jax.experimental.pallas import tpu_sc as plsc

N = 10000
E = 320000
IN_DIM = 128
HID = 64
N_CLS = 20
G = 64

NC = 2
NS = 16
L = 16
NW = NC * NS
CHUNK = 128
ROWS_PER_W = 80
E_PAD = NW * ROWS_PER_W * CHUNK
N_ACC = 10240
SLAB = N_ACC // NS
NBUF = 2

def _sc_compiler_params(linear_hbm=False):
    cp = pltpu.CompilerParams()
    cp = dataclasses.replace(cp, needs_layout_passes=False)
    if linear_hbm:
        cp = dataclasses.replace(cp, use_tc_tiling_on_sc=False)
    return cp


def _mk_mesh():
    try:
        return plsc.VectorSubcoreMesh(
            core_axis_name="c", subcore_axis_name="s",
            num_cores=NC, num_subcores=NS)
    except TypeError:
        return plsc.VectorSubcoreMesh(core_axis_name="c", subcore_axis_name="s")



@jax.jit
def _sc_degree(dst_flat):
    n_idx = E // NW

    @functools.partial(
        pl.kernel,
        out_type=jax.ShapeDtypeStruct((NW, N_ACC), jnp.float32),
        mesh=_mk_mesh(),
        scratch_types=[
            pltpu.VMEM((n_idx,), jnp.int32),
            pltpu.VMEM((N_ACC,), jnp.float32),
        ],
        compiler_params=_sc_compiler_params(),
    )
    def k(dst_hbm, out_hbm, idx_v, acc_v):
        wid = lax.axis_index("s") * NC + lax.axis_index("c")
        pltpu.sync_copy(dst_hbm.at[pl.ds(wid * n_idx, n_idx)], idx_v)

        zeros = jnp.zeros((L,), jnp.float32)

        @pl.loop(0, N_ACC, step=L)
        def _zero(i):
            acc_v[pl.ds(i, L)] = zeros

        ones = jnp.ones((L,), jnp.float32)

        @plsc.parallel_loop(0, n_idx, step=L, unroll=8)
        def _hist(i):
            idx = idx_v[pl.ds(i, L)]
            plsc.addupdate_scatter(acc_v, [idx], ones)

        pltpu.sync_copy(acc_v, out_hbm.at[wid])

    return k(dst_flat)


@jax.jit
def _sc_edge_agg(hp, src2d, dst2d):

    @functools.partial(
        pl.kernel,
        out_type=jax.ShapeDtypeStruct((NC, N_ACC, HID), jnp.float32),
        mesh=_mk_mesh(),
        scratch_types=[
            pltpu.VMEM((ROWS_PER_W + NBUF, CHUNK), jnp.int32),
            pltpu.VMEM((ROWS_PER_W + NBUF, CHUNK), jnp.int32),
        ] + [pltpu.VMEM((CHUNK, HID), jnp.float32) for _ in range(NBUF)] + [
            pltpu.VMEM_SHARED((N_ACC, HID), jnp.float32),
            pltpu.VMEM_SHARED((N_ACC, HID), jnp.float32),
        ] + [pltpu.SemaphoreType.DMA for _ in range(2 * NBUF)],
        compiler_params=_sc_compiler_params(linear_hbm=True),
    )
    def k(hp_hbm, src_hbm, dst_hbm, out_hbm, src_v, dst_v, *rest):
        bufs = rest[:NBUF]
        acc = rest[NBUF]
        hps = rest[NBUF + 1]
        gs = rest[NBUF + 2:2 * NBUF + 2]
        ss = rest[2 * NBUF + 2:]
        cid = lax.axis_index("c")
        sid = lax.axis_index("s")
        wid = sid * NC + cid
        base = wid * ROWS_PER_W

        slab0 = sid * SLAB

        a_src = pltpu.async_copy(src_hbm.at[pl.ds(base, ROWS_PER_W)],
                                 src_v.at[pl.ds(0, ROWS_PER_W)], gs[0])
        a_dst = pltpu.async_copy(dst_hbm.at[pl.ds(base, ROWS_PER_W)],
                                 dst_v.at[pl.ds(0, ROWS_PER_W)], gs[1])
        a_stage = pltpu.async_copy(hp_hbm.at[pl.ds(slab0, SLAB)],
                                   hps.at[pl.ds(slab0, SLAB)], ss[0])

        izeros = jnp.zeros((L,), jnp.int32)

        @pl.loop(ROWS_PER_W, ROWS_PER_W + NBUF)
        def _zi(r):
            @pl.loop(0, CHUNK, step=L)
            def _zic(c):
                src_v[r, pl.ds(c, L)] = izeros

        zeros = jnp.zeros((L,), jnp.float32)
        buf0 = bufs[0]

        @pl.loop(0, CHUNK)
        def _zr(r):
            @pl.loop(0, HID, step=L)
            def _zc(c):
                buf0[r, pl.ds(c, L)] = zeros

        for t in range(SLAB // CHUNK):
            pltpu.async_copy(buf0, acc.at[pl.ds(slab0 + t * CHUNK, CHUNK)], ss[1])

        a_src.wait()
        a_dst.wait()
        a_stage.wait()
        for t in range(SLAB // CHUNK):
            pltpu.make_async_copy(buf0, acc.at[pl.ds(slab0 + t * CHUNK, CHUNK)],
                                  ss[1]).wait()

        plsc.subcore_barrier()

        for b in range(NBUF):
            pltpu.async_copy(hps.at[src_v.at[b]], bufs[b], gs[b])

        @pl.loop(0, ROWS_PER_W, step=NBUF)
        def _edge(j):
            for b in range(NBUF):
                pltpu.make_async_copy(hps.at[src_v.at[j + b]], bufs[b], gs[b]).wait()
                pltpu.async_copy(bufs[b], acc.at[dst_v.at[j + b]], ss[b], add=True)
            for b in range(NBUF):
                pltpu.make_async_copy(bufs[b], acc.at[dst_v.at[j + b]], ss[b]).wait()
                pltpu.async_copy(hps.at[src_v.at[j + NBUF + b]], bufs[b], gs[b])

        for b in range(NBUF):
            pltpu.make_async_copy(hps.at[src_v.at[ROWS_PER_W + b]], bufs[b], gs[b]).wait()

        plsc.subcore_barrier()

        for t in range(SLAB // CHUNK):
            r0 = slab0 + t * CHUNK
            pltpu.async_copy(acc.at[pl.ds(r0, CHUNK)],
                             out_hbm.at[cid, pl.ds(r0, CHUNK)], gs[0])
        for t in range(SLAB // CHUNK):
            r0 = slab0 + t * CHUNK
            pltpu.make_async_copy(acc.at[pl.ds(r0, CHUNK)],
                                  out_hbm.at[cid, pl.ds(r0, CHUNK)], gs[0]).wait()

    return k(hp, src2d, dst2d)



def _tc1_body(x_ref, w1_ref, degpt_ref, hp_ref, dism_ref):
    ones = jnp.ones((NW, HID), jnp.float32)
    deg = jnp.dot(degpt_ref[...], ones, preferred_element_type=jnp.float32) + 1.0
    dism = lax.rsqrt(deg)
    m = jnp.dot(x_ref[...], w1_ref[...], preferred_element_type=jnp.float32)
    dism_ref[...] = dism
    hp_ref[pl.ds(0, N), :] = m * dism[:N]
    hp_ref[pl.ds(N, N_ACC - N), :] = jnp.zeros((N_ACC - N, HID), jnp.float32)


@jax.jit
def _tc1(x, W1, degpt):
    return pl.pallas_call(
        _tc1_body,
        out_shape=(
            jax.ShapeDtypeStruct((N_ACC, HID), jnp.float32),
            jax.ShapeDtypeStruct((N_ACC, HID), jnp.float32),
        ),
    )(x, W1, degpt)


def _tc2_body(agg_ref, hp1_ref, dism_ref, b1_ref, w2_ref, hp2_ref):
    dism = dism_ref[...]
    z1 = dism * (agg_ref[0] + agg_ref[1] + hp1_ref[...]) + b1_ref[...]
    h1 = jnp.maximum(z1, 0.0)
    m2 = jnp.dot(h1, w2_ref[...], preferred_element_type=jnp.float32)
    hp2_ref[...] = m2 * dism


@jax.jit
def _tc2(agg1, hp1, dism, b1r, W2):
    return pl.pallas_call(
        _tc2_body,
        out_shape=jax.ShapeDtypeStruct((N_ACC, HID), jnp.float32),
    )(agg1, hp1, dism, b1r, W2)


def _tc3_body(agg_ref, hp2_ref, dism_ref, b2_ref, batch_ref, ne_ref,
              wlin_ref, blin_ref, out_ref):
    dism = dism_ref[...]
    z2 = dism * (agg_ref[0] + agg_ref[1] + hp2_ref[...]) + b2_ref[...]
    h2 = jnp.maximum(z2, 0.0)

    gids = lax.broadcasted_iota(jnp.int32, (G, N_ACC), 0)
    M = (batch_ref[...] == gids).astype(jnp.float32)
    ne_node = jnp.dot(ne_ref[...], M, preferred_element_type=jnp.float32)
    iota_n = lax.broadcasted_iota(jnp.int32, (1, N_ACC), 1).astype(jnp.float32)
    emask = (iota_n < ne_node).astype(jnp.float32)
    Me = M * emask

    ent_sum = jnp.dot(Me, h2, preferred_element_type=jnp.float32)
    all_sum = jnp.dot(M, h2, preferred_element_type=jnp.float32)
    ent_cnt = jnp.sum(Me, axis=1, keepdims=True)
    cnt = jnp.sum(M, axis=1, keepdims=True)

    ent_mean = ent_sum / (ent_cnt + 1e-6)
    all_mean = all_sum / jnp.maximum(cnt, 1.0)
    pooled = jnp.where(ent_cnt > 0, ent_mean, all_mean)

    logits = jnp.dot(pooled, wlin_ref[...], preferred_element_type=jnp.float32)
    logits = logits + blin_ref[...]
    lmax = jnp.max(logits, axis=1, keepdims=True)
    shifted = logits - lmax
    lse = jnp.log(jnp.sum(jnp.exp(shifted), axis=1, keepdims=True))
    out_ref[...] = shifted - lse


@jax.jit
def _tc3(agg2, hp2, dism, b2r, batchp, nef, Wlin, blinr):
    return pl.pallas_call(
        _tc3_body,
        out_shape=jax.ShapeDtypeStruct((G, N_CLS), jnp.float32),
    )(agg2, hp2, dism, b2r, batchp, nef, Wlin, blinr)



@jax.jit
def kernel(x, edge_index, batch, num_entity, W1, b1, W2, b2, Wlin, blin):
    ei = jnp.pad(edge_index.astype(jnp.int32), ((0, 0), (0, E_PAD - E)),
                 constant_values=N)
    src2d = ei[0].reshape(NW * ROWS_PER_W, CHUNK)
    dst2d = ei[1].reshape(NW * ROWS_PER_W, CHUNK)
    dst_flat = edge_index[1].astype(jnp.int32)

    batchp = jnp.pad(batch.astype(jnp.int32), (0, N_ACC - N),
                     constant_values=G).reshape(1, N_ACC)
    nef = num_entity.astype(jnp.float32).reshape(1, G)
    b1r = b1.reshape(1, HID)
    b2r = b2.reshape(1, HID)
    blinr = blin.reshape(1, N_CLS)

    degp = _sc_degree(dst_flat)
    degpt = degp.T

    hp1, dism = _tc1(x.astype(jnp.float32), W1, degpt)
    agg1 = _sc_edge_agg(hp1, src2d, dst2d)
    hp2 = _tc2(agg1, hp1, dism, b1r, W2)
    agg2 = _sc_edge_agg(hp2, src2d, dst2d)
    return _tc3(agg2, hp2, dism, b2r, batchp, nef, Wlin, blinr)

# --- scband reference (transcript-rebuilt; emitter-appended) ---
"""Pipeline reference for scband-ewgcn-86543591015294 (READ-ONLY COPY).

The authoritative reference and input builder live on the scoring server;
editing this copy changes nothing except your own understanding.
"""

import jax, jax.numpy as jnp
import numpy as np

N = 10000
E = 320000
IN_DIM = 128
HID = 64
N_CLS = 20
G = 64


def setup_inputs(seed: int = 0) -> dict:
    key = jax.random.key(seed)
    ks = jax.random.split(key, 12)
    x = jax.random.normal(ks[0], (N, IN_DIM), dtype=jnp.float32)
    edge_index = jax.random.randint(ks[1], (2, E), 0, N, dtype=jnp.int32)
    batch = jnp.sort(jax.random.randint(ks[2], (N,), 0, G, dtype=jnp.int32))
    num_entity = jax.random.randint(ks[3], (G,), 0, 2000, dtype=jnp.int32)
    W1 = jax.random.normal(ks[4], (IN_DIM, HID), dtype=jnp.float32) * (1.0 / np.sqrt(IN_DIM))
    b1 = jnp.zeros((HID,), dtype=jnp.float32)
    W2 = jax.random.normal(ks[5], (HID, HID), dtype=jnp.float32) * (1.0 / np.sqrt(HID))
    b2 = jnp.zeros((HID,), dtype=jnp.float32)
    Wlin = jax.random.normal(ks[6], (HID, N_CLS), dtype=jnp.float32) * (1.0 / np.sqrt(HID))
    blin = jnp.zeros((N_CLS,), dtype=jnp.float32)
    return {"x": x, "edge_index": edge_index, "batch": batch, "num_entity": num_entity,
            "W1": W1, "b1": b1, "W2": W2, "b2": b2, "Wlin": Wlin, "blin": blin}


def _gcn_conv(x, edge_index, W, b):
    # PyG GCNConv: add self-loops, symmetric deg^{-1/2} normalization, linear transform, bias
    src = edge_index[0]
    dst = edge_index[1]
    loop = jnp.arange(N, dtype=src.dtype)
    s = jnp.concatenate([src, loop])
    d = jnp.concatenate([dst, loop])
    h = x @ W
    deg = jax.ops.segment_sum(jnp.ones(s.shape[0], dtype=h.dtype), d, num_segments=N)
    deg_inv_sqrt = jnp.where(deg > 0, deg ** -0.5, 0.0)
    norm = deg_inv_sqrt[s] * deg_inv_sqrt[d]
    msgs = h[s] * norm[:, None]
    out = jax.ops.segment_sum(msgs, d, num_segments=N)
    return out + b


def reference(x, edge_index, batch, num_entity, W1, b1, W2, b2, Wlin, blin):
    h = jax.nn.relu(_gcn_conv(x.astype(jnp.float32), edge_index, W1, b1))
    h = jax.nn.relu(_gcn_conv(h, edge_index, W2, b2))
    ent_mask = (jnp.arange(N) < num_entity[batch]).astype(jnp.float32)[:, None]
    ent_sum = jax.ops.segment_sum(h * ent_mask, batch, num_segments=G)
    ent_cnt = jax.ops.segment_sum(ent_mask, batch, num_segments=G)
    ent_mean = ent_sum / (ent_cnt + 1e-06)
    all_sum = jax.ops.segment_sum(h, batch, num_segments=G)
    cnt = jax.ops.segment_sum(jnp.ones((N,), dtype=jnp.float32), batch, num_segments=G)
    all_mean = all_sum / jnp.maximum(cnt, 1.0)[:, None]
    cond = jnp.broadcast_to(ent_cnt > 0, ent_mean.shape)
    pooled = jnp.where(cond, ent_mean, all_mean)
    logits = pooled @ Wlin + blin
    return jax.nn.log_softmax(logits, axis=1)

if __name__ == "__main__":
    import jax
    _d = setup_inputs()
    print(jax.jit(kernel)(*tuple(_d.values())))

</pallas_src>

<mosaic_0001>
#map = affine_map<(d0, d1) -> (0)>
#map1 = affine_map<(d0, d1) -> (0, 0)>
module attributes {stable_mosaic.version = 14 : i64} {
  func.func @k(%arg0: i32, %arg1: i32, %arg2: memref<320000xi32, #tpu.memory_space<hbm>>, %arg3: memref<32x10240xf32, #tpu.memory_space<hbm>>, %arg4: memref<10000xi32, #tpu.memory_space<vmem>>, %arg5: memref<10240xf32, #tpu.memory_space<vmem>>) attributes {dimension_semantics = [#tpu.dimension_semantics<core_parallel>, #tpu.dimension_semantics<subcore_parallel>], iteration_bounds = array<i64: 2, 16>, scalar_prefetch = 0 : i64, scratch_operands = 2 : i64, tpu.core_type = #tpu.core_type<sc_vector_subcore>, window_params = [{transform_indices = #map}, {transform_indices = #map1}]} {
    %mul3A = arith.constant 2 : i32
    %mul3A_0 = arith.muli %arg1, %mul3A : i32
    %add3A = arith.addi %mul3A_0, %arg0 : i32
    %mul3A_1 = arith.constant 10000 : i32
    %mul3A_2 = arith.muli %add3A, %mul3A_1 : i32
    "tpu.region"() ({
      %run_scoped3A = tpu.sem_alloc : memref<!tpu.dma_semaphore, #tpu.memory_space<semaphore_mem>>
      %dma_start3A = tpu.memref_slice %arg2[%mul3A_2] : memref<320000xi32, #tpu.memory_space<hbm>> -> memref<10000xi32, #tpu.memory_space<hbm>>
      %dma_start3A_12 = tpu.memref_slice %arg2[%mul3A_2] : memref<320000xi32, #tpu.memory_space<hbm>> -> memref<10000xi32, #tpu.memory_space<hbm>>
      tpu.enqueue_dma source(%dma_start3A_12 : memref<10000xi32, #tpu.memory_space<hbm>>) target(%arg4 : memref<10000xi32, #tpu.memory_space<vmem>>) target_semaphore(%run_scoped3A : memref<!tpu.dma_semaphore, #tpu.memory_space<semaphore_mem>>)
      %dma_wait3A = tpu.memref_slice %arg2[%mul3A_2] : memref<320000xi32, #tpu.memory_space<hbm>> -> memref<10000xi32, #tpu.memory_space<hbm>>
      %dma_wait3A_13 = tpu.memref_slice %arg2[%mul3A_2] : memref<320000xi32, #tpu.memory_space<hbm>> -> memref<10000xi32, #tpu.memory_space<hbm>>
      tpu.wait_dma2 semaphore(%run_scoped3A : memref<!tpu.dma_semaphore, #tpu.memory_space<semaphore_mem>>) src(%dma_wait3A_13 : memref<10000xi32, #tpu.memory_space<hbm>>) dst(%arg4 : memref<10000xi32, #tpu.memory_space<vmem>>)
      tpu.yield
    }) : () -> ()
    %broadcast_in_dim3A = arith.constant 0.000000e+00 : f32
    %broadcast_in_dim3A_3 = vector.broadcast %broadcast_in_dim3A : f32 to vector<16xf32>
    %scan3A = arith.constant 0 : i32
    %scan3A_4 = arith.constant 640 : i32
    %scan3A_5 = arith.addi %scan3A, %scan3A_4 : i32
    %scan3A_6 = arith.constant 1 : i32
    scf.for %scan3A_12 = %scan3A to %scan3A_5 step %scan3A_6  : i32 {
      %mul3A_13 = arith.constant 16 : i32
      %mul3A_14 = arith.muli %scan3A_12, %mul3A_13 : i32
      %add3A_15 = arith.constant 0 : i32
      %add3A_16 = arith.addi %add3A_15, %mul3A_14 : i32
      %swap3A = arith.index_cast %add3A_16 : i32 to index
      %swap3A_17 = tpu.vector_load %arg5[%swap3A] {strides = array<i32>} : memref<10240xf32, #tpu.memory_space<vmem>>, vector<16xf32>,
      tpu.vector_store %arg5[%swap3A], %broadcast_in_dim3A_3 {strides = array<i32>} : memref<10240xf32, #tpu.memory_space<vmem>>, vector<16xf32>,
    }
    %scan3A_7 = arith.constant 640 : i32
    %broadcast_in_dim3A_8 = arith.constant 1.000000e+00 : f32
    %broadcast_in_dim3A_9 = vector.broadcast %broadcast_in_dim3A_8 : f32 to vector<16xf32>
    %parallel_loop3A = arith.constant 0 : i32
    %parallel_loop3A_10 = arith.constant 10000 : i32
    %parallel_loop3A_11 = arith.constant 16 : i32
    scf.for %parallel_loop3A_12 = %parallel_loop3A to %parallel_loop3A_10 step %parallel_loop3A_11  : i32 {
      %parallel_loop3A_13 = arith.index_cast %parallel_loop3A_12 : i32 to index
      %parallel_loop3A_14 = tpu.vector_load %arg4[%parallel_loop3A_13] {strides = array<i32>} : memref<10000xi32, #tpu.memory_space<vmem>>, vector<16xi32>,
      tpu.vector_store_idx %arg5[%parallel_loop3A_14], %broadcast_in_dim3A_9 {add = true} : memref<10240xf32, #tpu.memory_space<vmem>>[vector<16xi32>], vector<16xf32>,
    } {sc.loop_unroll_factor = 8 : i64, sc.parallel_access}
    "tpu.region"() ({
      %run_scoped3A = tpu.sem_alloc : memref<!tpu.dma_semaphore, #tpu.memory_space<semaphore_mem>>
      %dma_start3A = arith.constant 0 : i32
      %dma_start3A_12 = tpu.memref_slice %arg3[%add3A, %dma_start3A] : memref<32x10240xf32, #tpu.memory_space<hbm>> -> memref<1x10240xf32, #tpu.memory_space<hbm>>
      %dma_start3A_13 = tpu.memref_squeeze %dma_start3A_12 : memref<1x10240xf32, #tpu.memory_space<hbm>> -> memref<10240xf32, #tpu.memory_space<hbm>>
      %dma_start3A_14 = arith.constant 0 : i32
      %dma_start3A_15 = tpu.memref_slice %arg3[%add3A, %dma_start3A_14] : memref<32x10240xf32, #tpu.memory_space<hbm>> -> memref<1x10240xf32, #tpu.memory_space<hbm>>
      %dma_start3A_16 = tpu.memref_squeeze %dma_start3A_15 : memref<1x10240xf32, #tpu.memory_space<hbm>> -> memref<10240xf32, #tpu.memory_space<hbm>>
      tpu.enqueue_dma source(%arg5 : memref<10240xf32, #tpu.memory_space<vmem>>) target(%dma_start3A_16 : memref<10240xf32, #tpu.memory_space<hbm>>) target_semaphore(%run_scoped3A : memref<!tpu.dma_semaphore, #tpu.memory_space<semaphore_mem>>)
      %dma_wait3A = arith.constant 0 : i32
      %dma_wait3A_17 = tpu.memref_slice %arg3[%add3A, %dma_wait3A] : memref<32x10240xf32, #tpu.memory_space<hbm>> -> memref<1x10240xf32, #tpu.memory_space<hbm>>
      %dma_wait3A_18 = tpu.memref_squeeze %dma_wait3A_17 : memref<1x10240xf32, #tpu.memory_space<hbm>> -> memref<10240xf32, #tpu.memory_space<hbm>>
      %dma_wait3A_19 = arith.constant 0 : i32
      %dma_wait3A_20 = tpu.memref_slice %arg3[%add3A, %dma_wait3A_19] : memref<32x10240xf32, #tpu.memory_space<hbm>> -> memref<1x10240xf32, #tpu.memory_space<hbm>>
      %dma_wait3A_21 = tpu.memref_squeeze %dma_wait3A_20 : memref<1x10240xf32, #tpu.memory_space<hbm>> -> memref<10240xf32, #tpu.memory_space<hbm>>
      tpu.wait_dma2 semaphore(%run_scoped3A : memref<!tpu.dma_semaphore, #tpu.memory_space<semaphore_mem>>) src(%arg5 : memref<10240xf32, #tpu.memory_space<vmem>>) dst(%dma_wait3A_21 : memref<10240xf32, #tpu.memory_space<hbm>>)
      tpu.yield
    }) : () -> ()
    return
  }
}

</mosaic_0001>

<sc_bundles>
// kernel: _sc_degree.3.cloned.1.call-start
scs
__scs_entry_jumppad:
0x0: {  	(pc) =	sbr.rel $0x88, $3  }
0x1: {  	(tag) =	ssettag $0x0;
	lr =	simm.s32 $0x1  }
0x2: {  	[smem:$0x3FA0] =	sst lr;
	_ =	strace $0xD0000000  }
0x3: {  	_ = 	snop  }
0x4: {  	_ = 	snop  }
0x5: {  	_ = 	snop  }
0x6: {  	_ = 	snop  }
0x7: {  	_ = 	snop  }
__scs_overlays_trampoline_lowered:
0x8: {  	[smem:$0x3FAF] =	sst s0  }
0x9: {  	[smem:$0x3FB0] =	sst s1  }
0xa: {  	[smem:$0x3FB1] =	sst s2  }
0xb: {  	[smem:$0x3FB2] =	sst s3  }
0xc: {  	[smem:$0x3FB3] =	sst s4  }
0xd: {  	[smem:$0x3FB4] =	sst s5  }
0xe: {  	[smem:$0x3FB5] =	sst s6  }
0xf: {  	[smem:$0x3FB6] =	sst s7  }
0x10: {  	[smem:$0x3FB7] =	sst s8  }
0x11: {  	[smem:$0x3FB8] =	sst s9;
	s0 =	simm.s32 @!p0 $0x0  }
0x12: {  	s1 =	sld [smem:$0x3F9E];
	s0 =	simm.s32 @p0 $0x1  }
0x13: {  	[smem:$0x3FB9] =	sst s0;
	s0 =	simm.s32 @!p1 $0x0  }
0x14: {  	s2 =	sld [smem:$0x3F9D];
	s0 =	simm.s32 @p1 $0x1  }
0x15: {  	[smem:$0x3FBA] =	sst s0;
	s0 =	simm.s32 @!p2 $0x0  }
0x16: {  	s3 =	sld [smem:$0x3FDB];
	s0 =	simm.s32 @p2 $0x1  }
0x17: {  	s4 =	simm.s32 $0x1BF5;
	[smem:$0x3FBC] =	sst s0  }
0x18: {  	s0 =	sld [smem:$0x3F9F];
	_ =	swait.ge [sflag:s4], $0x0  }
0x19: {  	s7 =	sld [smem:$0x3FA0]  }
0x1a: {  	s8 =	sadd.s32 $0xFFFFE003, lr  }
0x1b: {  	s9 =	sadd.s32 $0xFFFFFEF7, lr;
	s5 =	simm.s32 $0xFFFFFFFF;
	p2 =	slt.u32 s8, $0xFFFFF086  }
0x1c: {  	p1 =	slt.u32 s9, $0xF7A;
	s5 =	simm.s32 @!p2 $0x0  }
0x1d: {  	s5 =	simm.s32 @p1 $0x1;
	p0 =	seq.s32 s7, s2  }
0x1e: {  	s7 =	smul.u32 @!p0 $0xF7A, s2;
	p2 =	seq.s32 @!p0 s5, $0x0  }
0x1f: {  	s9 =	smul.u32 $0xF7A, s1;
	s8 =	simm.s32 @!p0 $0x1BF5;
	p2 =	por !p2, p0  }
0x20: {  	[sflag:s8] =	ssyncset.s32 @!p0 $0xFFFFF086;
	s6 =	sadd.s32 @!p0 s3, s7;
	s7 =	simm.s32 @!p0 $0x108  }
0x21: {  	s3 =	sadd.s32 s3, s9;
	s6 =	sadd.s32 @!p0 $0x88, s6;
	s7 =	simm.s32 @p2 $0x1082  }
0x22: {  	[simem:s7], [sflag:s8] =	dma.local @!p0 [hbm:s6], $0xF7A  }
0x23: {  	s9 =	sor.u32 $0xD0000000, s2;
	s6 =	simm.s32 $0x108;
	_ =	swait.ge @!p0 [sflag:s8], $0x0  }
0x24: {  	s3 =	sadd.s32 $0x88, s3;
	s6 =	simm.s32 @!p1 $0x1082;
	[sflag:s4] =	ssyncset.s32 $0xFFFFF086  }
0x25: {  	[simem:s6], [sflag:s4] =	dma.local [hbm:s3], $0xF7A  }
0x26: {  	[smem:$0x3FA0] =	sst s1;
	(tag) =	ssettag s2;
	_ =	strace s9  }
0x27: {  	s1 =	sld [smem:$0x3FB0]  }
0x28: {  	s2 =	sld [smem:$0x3FB1]  }
0x29: {  	s4 =	sld [smem:$0x3FB3]  }
0x2a: {  	p0 =	seq.s32 s5, $0x0;
	s5 =	sld [smem:$0x3FB4]  }
0x2b: {  	s6 =	sld [smem:$0x3FB5]  }
0x2c: {  	s7 =	sld [smem:$0x3FB6]  }
0x2d: {  	s3 =	simm.s32 $0x108;
	s8 =	sld [smem:$0x3FB7]  }
0x2e: {  	s3 =	simm.s32 @!p0 $0x1082;
	s9 =	sld [smem:$0x3FB8]  }
0x2f: {  	lr =	sadd.s32 s0, s3;
	s0 =	sld [smem:$0x3FAF]  }
0x30: {  	s3 =	sld [smem:$0x3FB2]  }
0x31: {  	[smem:$0x3FBB] =	sst s10  }
0x32: {  	s10 =	sld [smem:$0x3FB9];
	_ =	sdelay $0x3  }
0x33: {  	p0 =	seq.s32 s10, $0x1;
	s10 =	sld [smem:$0x3FBB];
	_ =	sdelay $0x3  }
0x34: {  	[smem:$0x3FBB] =	sst s10  }
0x35: {  	s10 =	sld [smem:$0x3FBA];
	_ =	sdelay $0x3  }
0x36: {  	p1 =	seq.s32 s10, $0x1;
	s10 =	sld [smem:$0x3FBB];
	_ =	sdelay $0x3  }
0x37: {  	[smem:$0x3FBB] =	sst s10  }
0x38: {  	s10 =	sld [smem:$0x3FBC]  }
0x39: {  	_ = 	snop;
	(pc) =	sbr.ind lr, $3  }
0x3a: {  	_ = 	snop  }
0x3b: {  	_ = 	snop  }
0x3c: {  	p2 =	seq.s32 s10, $0x1;
	s10 =	sld [smem:$0x3FBB]  }
0x3d: {  	_ =	shalt  }
0x3e: {  	_ =	shalt  }
0x3f: {  	_ =	shalt  }
0x40: {  	_ =	shalt  }
0x41: {  	_ =	shalt  }
0x42: {  	_ =	shalt  }
0x43: {  	_ =	shalt  }
0x44: {  	_ =	shalt  }
0x45: {  	_ =	shalt  }
0x46: {  	_ =	shalt  }
0x47: {  	_ =	shalt  }
0x48: {  	_ =	shalt  }
0x49: {  	_ =	shalt  }
0x4a: {  	_ =	shalt  }
0x4b: {  	_ =	shalt  }
0x4c: {  	_ =	shalt  }
0x4d: {  	_ =	shalt  }
0x4e: {  	_ =	shalt  }
0x4f: {  	_ =	shalt  }
0x50: {  	_ =	shalt  }
0x51: {  	_ =	shalt  }
0x52: {  	_ =	shalt  }
0x53: {  	_ =	shalt  }
0x54: {  	_ =	shalt  }
0x55: {  	_ =	shalt  }
0x56: {  	_ =	shalt  }
0x57: {  	_ =	shalt  }
0x58: {  	_ =	shalt  }
0x59: {  	_ =	shalt  }
0x5a: {  	_ =	shalt  }
0x5b: {  	_ =	shalt  }
0x5c: {  	_ =	shalt  }
0x5d: {  	_ =	shalt  }
0x5e: {  	_ =	shalt  }
0x5f: {  	_ =	shalt  }
0x60: {  	_ =	shalt  }
0x61: {  	_ =	shalt  }
0x62: {  	_ =	shalt  }
0x63: {  	_ =	shalt  }
0x64: {  	_ =	shalt  }
0x65: {  	_ =	shalt  }
0x66: {  	_ =	shalt  }
0x67: {  	_ =	shalt  }
0x68: {  	_ =	shalt  }
0x69: {  	_ =	shalt  }
0x6a: {  	_ =	shalt  }
0x6b: {  	_ =	shalt  }
0x6c: {  	_ =	shalt  }
0x6d: {  	_ =	shalt  }
0x6e: {  	_ =	shalt  }
0x6f: {  	_ =	shalt  }
0x70: {  	_ =	shalt  }
0x71: {  	_ =	shalt  }
0x72: {  	_ =	shalt  }
0x73: {  	_ =	shalt  }
0x74: {  	_ =	shalt  }
0x75: {  	_ =	shalt  }
0x76: {  	_ =	shalt  }
0x77: {  	_ =	shalt  }
0x78: {  	_ =	shalt  }
0x79: {  	_ =	shalt  }
0x7a: {  	_ =	shalt  }
0x7b: {  	_ =	shalt  }
0x7c: {  	_ =	shalt  }
0x7d: {  	_ =	shalt  }
0x7e: {  	_ =	shalt  }
0x7f: {  	_ =	shalt  }
0x80: {  	_ =	shalt  }
0x81: {  	_ =	shalt  }
0x82: {  	_ =	shalt  }
0x83: {  	_ =	shalt  }
0x84: {  	_ =	shalt  }
0x85: {  	_ =	shalt  }
0x86: {  	_ =	shalt  }
0x87: {  	_ =	shalt  }
.Lfunc_end0:
.L_simem_size_0:
called_computation_lowered:
.L_overlay_start_0:
0x88: {  	s2 =	sld [smem:$0x3FD9]  }
0x89: {  	s3 =	sld [smem:$0x3FFE];
	_ =	sdelay $0x1  }
0x8a: {  	s1 =	srdreg.scid  }
0x8b: {  	s0 =	sand.u32 $0x1, s1  }
0x8c: {  	s18 =	sshll.u32 s0, $0xA;
	s2 =	sadd.s32 s3, s2  }
0x8d: {  	s2 =	sadd.s32 s2, s18  }
0x8e: {  	[smem:$0x3FC7] =	sst s2  }
0x8f: {  	_ = 	snop  }
0x90: {  	s2 =	sld [smem:$0x3FC9]  }
0x91: {  	s19 =	sld [smem:$0x3FD0];
	(tm) =	ssettm $0x1  }
0x92: {  	s4 =	sld [smem:$0x3FFB];
	_ =	sdelay $0x3  }
0x93: {  	_ =	strace s4  }
0x94: {  	s4 =	sld [smem:$0x3FFC];
	_ =	sdelay $0x3  }
0x95: {  	_ =	strace s4  }
0x96: {  	s4 =	sld [smem:$0x3FFD];
	_ =	sdelay $0x3  }
0x97: {  	_ =	strace s4  }
0x98: {  	_ =	strace $0x8FFFFFFF  }
0x99: {  	s20 =	sld [smem:$0x3FDB];
	_ =	sdelay $0x1  }
0x9a: {  	s5 =	simm.s32 $_scs_section_size  }
0x9b: {  	s6 =	simm.s32 $_size__tile_overlayer_lowered;
	s7 =	simm.s32 $_tile_overlayer_lowered  }
0x9c: {  	s23 =	simm.s32 $0x1BFF;
	s22 =	sshll.u32 s7, $0x1;
	s4 =	sadd.s32 s5, s20  }
0x9d: {  	s8 =	simm.s32 $0x0;
	s21 =	sshll.u32 s6, $0x1;
	s6 =	sadd.s32 s22, s4  }
0x9e: {  	[timem:s8], [sflag:s23] =	dma.local [hbm:s6], s21  }
0x9f: {  	_ =	swait.ge [sflag:s23], s21  }
0xa0: {  	s5 =	ssub.s32 $0x0, s21;
	[sflag:s23] =	ssyncset.done $0x0  }
0xa1: {  	[sflag:s23] =	ssyncadd.s32 s5;
	_ =	sdelay $0x1  }
0xa2: {  	s24 =	simm.s32 $0x1B8B  }
0xa3: {  	_ =	swait.ge [sflag:s24], $0x1  }
0xa4: {  	[sflag:s24] =	ssyncset.done $0x0  }
0xa5: {  	s25 =	simm.s32 $0x1B8E;
	[sflag:s24] =	ssyncadd.s32 $0xFFFFFFFF  }
0xa6: {  	s26 =	simm.s32 $execute0_lowered;
	[smem:$0x3FD2] =	sst s25  }
0xa7: {  	s5 =	sshll.u32 s26, $0x1;
	_ =	strace $0x80000046;
	[dreg:$0x1] =	wrdreg $0xFFFFFFFF  }
0xa8: {  	s28 =	simm.s32 $_size_execute0_lowered;
	s4 =	sadd.s32 s4, s5;
	[dreg:$0x0] =	wrdreg $0x0  }
0xa9: {  	s5 =	sshll.u32 s28, $0x1;
	[dreg:$0x2] =	wrdreg s4  }
0xaa: {  	[dreg:$0x3] =	wrdreg s5  }
0xab: {  	[dreg:$0x4] =	wrdreg $0xC0  }
0xac: {  	_ =	task [dreg:s8], $0x5FFFF  }
0xad: {  	[dreg:$0x1] =	wrdreg $0xFFFFFFFF  }
0xae: {  	[dreg:$0x0] =	wrdreg $0x60  }
0xaf: {  	[dreg:$0x2] =	wrdreg s2  }
0xb0: {  	[dreg:$0x3] =	wrdreg s19  }
0xb1: {  	[dreg:$0x4] =	wrdreg $0x9  }
0xb2: {  	_ =	task.clear_ibuf [dreg:s8], $0x5FFFF;
	_ =	strace $0x90000046  }
0xb3: {  	s29 =	simm.s32 $0x9;
	_ =	strace $0x80000048  }
0xb4: {  	_ =	swait.ge [sflag:s29], $0x1  }
0xb5: {  	[sflag:s29] =	ssyncadd.s32 $0xFFFFFFFF  }
0xb6: {  	_ =	strace $0x90000048  }
0xb7: {  	_ =	sfence  }
0xb8: {  	s30 =	sld [smem:$0x0];
	_ =	sdelay $0x2  }
0xb9: {  	s31 =	sshll.u32 s1, $0xD;
	s1 =	sshrl.u32 s1, $0x2  }
0xba: {  	s3 =	sand.u32 $0x4000, s31;
	s1 =	sadd.s32 s1, s30  }
0xbb: {  	s0 =	sor.u32 s3, s0;
	s1 =	sshll.u32 s1, $0x11  }
0xbc: {  	s0 =	sor.u32 s1, s0  }
0xbd: {  	s0 =	sadd.s32 $0x8F2B, s0  }
0xbe: {  	[sflag:s0] =	ssyncadd.remote.s32 $0x1  }
0xbf: {  	_ =	sfence.sel $0xFFFF  }
0xc0: {  	[dreg:$0x0] =	wrdreg $0xFFFFFFFF;
	(pc) =	sbr.abs _section_cstart, $3  }
0xc1: {  	[dreg:$0x1] =	wrdreg $0xFFFFFFFF  }
0xc2: {  	_ =	task.clear_ibuf [dreg:s8], $0x2FFFF;
	_ =	strace $0x9FFFFFFF  }
0xc3: {  	(tm) =	ssettm $0x7FFFFFFF  }
tec
execute0_lowered:
.L_overlay_start_1:
0x0: {  	(tag) =	ssettag $0x1  }
0x1: {  	s3 =	rddreg [dreg:$0x0];
	s1 =	srdreg.scid  }
0x2: {  	s0 =	stileid.u32;
	s4 =	rddreg [dreg:$0x1];
	s9 =	simm.s32 $0x400  }
0x3: {  	s10 =	simm.s32 $0x0;
	s5 =	sand.u32 $0x1, s1;
	s2 =	sshll.u32 s0, $0x1  }
0x4: {  	s1 =	rddreg [dreg:$0x2];
	s7 =	sshrl.u32 s0, $0x2;
	s6 =	sor.u32 s5, s2  }
0x5: {  	s2 =	simm.s32 $0x0;
	s7 =	smul.u32 $0x14000, s7;
	s5 =	ssub.s32 $0x2, s5  }
0x6: {  	s8 =	sshll.u32 s6, $0x7;
	[smem:$0x7FF] =	sst s2;
	s6 =	smul.u32 $0x4E2, s6  }
0x7: {  	s31 =	sshrl.u32 s5, $0x1;
	s8 =	sand.u32 $0x380, s8;
	_ =	strace $0x80000047  }
0x8: {  	s5 =	ssub.s32 s5, s31;
	s7 =	sor.u32 s7, s8;
	s3 =	sadd.s32 s3, s6  }
0x9: {  	s5 =	smax.u32 s5, $0x1;
	s6 =	simm.s32 $0x1;
	s7 =	sshrl.u32 s7, $0x3  }
0xa: {  	v0 =	vimm.f32 $0.0e+00;
	v1 =	vimm.f32 $1.000000000e+00;
	s8 =	simm.s32 $0x80;
	s4 =	sadd.s32 s4, s7;
	s7 =	simm.s32 $0x2780  }
.LBB2_1:
0xb: {  	[tilespmem:s2], [sflag:$0x1] =	stream.linear.gather [hbm4b:s3+s2], $0x2710, $0x38;
	[tilespmem:$0x4F80] =	vst v63  }
0xc: {  	_ =	swait.ge [sflag:s6], $0x2710  }
0xd: {  	[sflag:s6] =	ssyncset.done $0x0  }
0xe: {  	s11 =	simm.s32 $0x0;
	[sflag:s6] =	ssyncadd.s32 $0xFFFFD8F0  }
.LBB2_2:
0xf: {  	p0 =	sne.s32 s11, $0x9FC0  }
.Ltmp0:
0x10: {  	_ = 	snop;
	(pc) =	sbr.rel @p0 .LBB2_2-.Ltmp0, $3  }
0x11: {  	_ =	sdelay $0x1  }
0x12: {  	s12 =	sshra.s32 s11, $0x2  }
0x13: {  	s11 =	sadd.s32 $0x40, s11;
	[tilespmem:s12+$0x2780] =	vst v0  }
0x14: {  	s11 =	simm.s32 $0x40  }
0x15: {  	v3 =	vld [tilespmem:s11+$0xFFFFFFC0]  }
0x16: {  	v4 =	vld [tilespmem:s11+$0x30]  }
0x17: {  	v5 =	vld [tilespmem:s11+$0x20]  }
0x18: {  	v6 =	vld [tilespmem:s11+$0x10]  }
0x19: {  	v7 =	vld [tilespmem:s11+$0x0]  }
0x1a: {  	v8 =	vld [tilespmem:s11+$0xFFFFFFF0]  }
0x1b: {  	v9 =	vld [tilespmem:s11+$0xFFFFFFE0]  }
0x1c: {  	v2 =	vld [tilespmem:s11+$0xFFFFFFD0]  }
0x1d: {  	[tilespmem:v3+s7+$0x0] =	vst.idx.add.f32.msk $0xffff, v1  }
0x1e: {  	[tilespmem:v4+s7+$0x0] =	vst.idx.add.f32.msk $0xffff, v1  }
0x1f: {  	[tilespmem:v5+s7+$0x0] =	vst.idx.add.f32.msk $0xffff, v1  }
0x20: {  	[tilespmem:v6+s7+$0x0] =	vst.idx.add.f32.msk $0xffff, v1  }
0x21: {  	[tilespmem:v7+s7+$0x0] =	vst.idx.add.f32.msk $0xffff, v1  }
0x22: {  	[tilespmem:v8+s7+$0x0] =	vst.idx.add.f32.msk $0xffff, v1  }
0x23: {  	s12 =	simm.s32 $0x0;
	[tilespmem:v9+s7+$0x0] =	vst.idx.add.f32.msk $0xffff, v1  }
.LBB2_4:
0x24: {  	s12 =	sadd.s32 $0x80, s12;
	[tilespmem:v2+s7+$0x0] =	vst.idx.add.f32.msk $0xffff, v1;
	s11 =	sadd.s32 $0x80, s11  }
0x25: {  	v3 =	vld [tilespmem:s11+$0xFFFFFFC0];
	p0 =	slt.u32 s12, $0x2680  }
0x26: {  	v4 =	vld [tilespmem:s11+$0x30]  }
0x27: {  	v5 =	vld [tilespmem:s11+$0x20]  }
0x28: {  	v6 =	vld [tilespmem:s11+$0x10]  }
0x29: {  	v7 =	vld [tilespmem:s11+$0x0]  }
0x2a: {  	v8 =	vld [tilespmem:s11+$0xFFFFFFF0]  }
0x2b: {  	v9 =	vld [tilespmem:s11+$0xFFFFFFE0]  }
0x2c: {  	v2 =	vld [tilespmem:s11+$0xFFFFFFD0]  }
0x2d: {  	[tilespmem:v3+s7+$0x0] =	vst.idx.add.f32.msk $0xffff, v1  }
0x2e: {  	[tilespmem:v4+s7+$0x0] =	vst.idx.add.f32.msk $0xffff, v1  }
.Ltmp1:
0x2f: {  	[tilespmem:v5+s7+$0x0] =	vst.idx.add.f32.msk $0xffff, v1;
	(pc) =	sbr.rel @p0 .LBB2_4-.Ltmp1, $4  }
0x30: {  	[tilespmem:v6+s7+$0x0] =	vst.idx.add.f32.msk $0xffff, v1  }
0x31: {  	[tilespmem:v7+s7+$0x0] =	vst.idx.add.f32.msk $0xffff, v1  }
0x32: {  	[tilespmem:v8+s7+$0x0] =	vst.idx.add.f32.msk $0xffff, v1  }
0x33: {  	[tilespmem:v9+s7+$0x0] =	vst.idx.add.f32.msk $0xffff, v1  }
0x34: {  	_ =	sdelay $0x3  }
0x35: {  	[tilespmem:v2+s7+$0x0] =	vst.idx.add.f32.msk $0xffff, v1  }
0x36: {  	v2 =	vld [tilespmem:$0x2700];
	_ =	sdelay $0x5  }
0x37: {  	s10 =	sadd.s32 $0x1, s10  }
0x38: {  	p0 =	sne.s32 s10, s5  }
.Ltmp2:
0x39: {  	[tilespmem:v2+s7+$0x0] =	vst.idx.add.f32.msk $0xffff, v1;
	(pc) =	sbr.rel @p0 .LBB2_1-.Ltmp2, $4  }
0x3a: {  	[hbm4b:s4+s8] =	stream.strided.scatter [tilespmem:s7], [sflag:$0x1], $0x2800, s9, s8, $0x38;
	[tilespmem:$0x4F80] =	vst v63  }
0x3b: {  	_ =	swait.ge [sflag:s6], $0x2800  }
0x3c: {  	[sflag:s6] =	ssyncset.done $0x0  }
0x3d: {  	[sflag:s6] =	ssyncadd.s32 $0xFFFFD800  }
0x3e: {  	_ =	sfence.sel $0x180000  }
0x3f: {  	[bflag:$0x0] =	sbarrier.arrive $0xFFFF  }
0x40: {  	p0 =	sne.s32 s0, $0x0;
	_ =	strace $0x90000047  }
0x41: {  	s0 =	sadd.s32 @!p0 $0x100000, s1;
	[bflag:$0x2] =	sbarrier.arrive $0xFFFF  }
0x42: {  	[sflag:s0] =	ssyncadd.tile.s32 @!p0 $0x1;
	_ =	shalt  }
.Lfunc_end2:
_tile_overlayer_lowered:
.L_overlay_start_2:
0x43: {  	(tag) =	ssettag $0x2  }
0x44: {  	s0 =	rddreg [dreg:$0x0];
	s2 =	stileid.u32  }
0x45: {  	s1 =	rddreg [dreg:$0x1];
	p0 =	sne.s32 s2, $0x0  }
0x46: {  	s3 =	rddreg [dreg:$0x2];
	[bflag:$0x3] =	sbarrier.arrive $0xFFFF;
	s2 =	simm.s32 @!p0 $0x1C01  }
0x47: {  	[timem:s3], [sflag:s2] =	dma.local @!p0 [hbm:s0], s1  }
0x48: {  	s0 =	simm.s32 @!p0 $0x1  }
0x49: {  	_ =	swait.ge @!p0 [sflag:s0], s1  }
0x4a: {  	s1 =	ssub.s32 @!p0 $0x0, s1;
	[sflag:s0] =	ssyncset.done @!p0 $0x0  }
0x4b: {  	[sflag:s0] =	ssyncadd.s32 @!p0 s1  }
0x4c: {  	[bflag:$0x3] =	sbarrier.arrive $0xFFFF  }
0x4d: {  	_ =	shalt  }

</sc_bundles>
